<compile_context>
chip_gen: v7x
topology: tpu7x:2x2x1
jax: 0.10.2.dev20260603
libtpu: 0.0.44.dev20260713+nightly
codegen_flags: <defaults>
</compile_context>

<pallas_src>
import functools
import math

import jax
import jax.numpy as jnp
from jax import lax
from jax.experimental import pallas as pl
from jax.experimental.pallas import tpu as pltpu
from jax.experimental.pallas import tpu_sc as plsc

ROWS = 320000
DIM = 128
NSEG = 10000
NRFF = 64
D1 = 32
D2 = 16
YW = 2 * D2

RBLK = 2000
NBLK = ROWS // RBLK

NBLK = ROWS // RBLK
NC, NS = 2, 16
NW = NC * NS
CHUNK = 128
NCHUNK = ROWS // CHUNK
NPAD = 10112
TROWS = NPAD // NS


_INV2PI = 0.15915493667125702
_RNDMAG = 1.5 * 2.0 ** 23
_COSCOEF = (-0.2568543255329132, 1.3788621425628662, -4.667723178863525,
            10.64940357208252, -15.106745719909668, 11.47977066040039,
            -3.4894320964813232, 0.1767766922712326)


def _cos_scaled(t):
    u = t * jnp.float32(_INV2PI)
    k = (u + jnp.float32(_RNDMAG)) - jnp.float32(_RNDMAG)
    f = u - k
    z = f * f
    r = jnp.float32(_COSCOEF[0])
    for c in _COSCOEF[1:]:
        r = r * z + jnp.float32(c)
    return r


def _dense_body(x_ref, o1_ref, b1_ref, bd1_ref, bd2_ref, b2_ref, bd3_ref,
                ssum_ref, y_ref):
    f32 = jnp.float32
    hi = lax.Precision.HIGHEST
    x = x_ref[...]
    proj1 = jnp.dot(x, o1_ref[...], precision=hi, preferred_element_type=f32)
    phi1 = _cos_scaled(proj1 + b1_ref[...])
    p = jnp.concatenate([phi1, phi1 * phi1], axis=1)
    mv1 = jnp.dot(p, bd1_ref[...], precision=hi,
                  preferred_element_type=f32)
    q = jnp.dot(mv1, bd2_ref[...], precision=hi,
                preferred_element_type=f32)
    proj2 = q[:, :NRFF] + b2_ref[...]
    pvar2 = q[:, NRFF:]
    phi2 = _cos_scaled(proj2) * jnp.exp(-0.5 * pvar2)
    r = jnp.concatenate([phi2, phi2 * phi2], axis=1)
    mv2 = jnp.dot(r, bd3_ref[...], precision=hi,
                  preferred_element_type=f32)
    s = jnp.dot(mv2 * mv2, ssum_ref[...], precision=hi,
                preferred_element_type=f32)
    m2 = mv2[:, :D2]
    v2 = mv2[:, D2:]
    norm = jnp.maximum(jnp.sqrt(s[:, :D2]), 1e-12)
    inv = 1.0 / v2
    y_ref[...] = jnp.concatenate([inv * (m2 / norm), inv], axis=1)


def _dense(x, o1, b1, bd1, bd2, b2, bd3, ssum):
    def wspec(a):
        return pl.BlockSpec(a.shape, lambda i: (0, 0))
    return pl.pallas_call(
        _dense_body,
        grid=(NBLK,),
        in_specs=[
            pl.BlockSpec((RBLK, DIM), lambda i: (i, 0)),
            wspec(o1), wspec(b1), wspec(bd1), wspec(bd2), wspec(b2),
            wspec(bd3), wspec(ssum),
        ],
        out_specs=pl.BlockSpec((RBLK, YW), lambda i: (i, 0)),
        out_shape=jax.ShapeDtypeStruct((ROWS, YW), jnp.float32),
    )(x, o1, b1, bd1, bd2, b2, bd3, ssum)


def _chunk_lo(w):
    return ((w * NCHUNK) >> 8) << 3


def _scatter_body(y_hbm, idx_hbm, init_hbm, out_hbm, idx_one, rows_v, acc):
    c = lax.axis_index("c")
    s = lax.axis_index("s")
    wid = s * NC + c
    srow = pl.multiple_of(s * TROWS, 8)
    pltpu.sync_copy(init_hbm.at[c].at[pl.ds(srow, TROWS)],
                    acc.at[pl.ds(srow, TROWS)])
    b0 = pl.multiple_of(_chunk_lo(wid), 8)
    bn = _chunk_lo(wid + 1)
    k = jnp.where(wid == NW - 1, NCHUNK, bn) - b0
    plsc.subcore_barrier()

    def body(j, carry):
        rbase = pl.multiple_of((b0 + j) * CHUNK, 8)
        pltpu.sync_copy(idx_hbm.at[b0 + j], idx_one)
        pltpu.sync_copy(y_hbm.at[pl.ds(rbase, CHUNK)], rows_v)
        pltpu.sync_copy(rows_v, acc.at[idx_one], add=True)
        return carry

    lax.fori_loop(0, k, body, 0)

    plsc.subcore_barrier()
    pltpu.sync_copy(acc.at[pl.ds(srow, TROWS)],
                    out_hbm.at[c].at[pl.ds(srow, TROWS)])


_scatter = functools.partial(
    pl.kernel,
    out_type=jax.ShapeDtypeStruct((NC, NPAD, YW), jnp.float32),
    mesh=plsc.VectorSubcoreMesh(core_axis_name="c", subcore_axis_name="s"),
    scratch_types=[
        pltpu.VMEM((CHUNK,), jnp.int32),
        pltpu.VMEM((CHUNK, YW), jnp.float32),
        pltpu.VMEM_SHARED((NPAD, YW), jnp.float32),
    ],
)(_scatter_body)


def _finalize_body(p_ref, emb_ref, ev_ref):
    tot = jnp.sum(p_ref[...], axis=0)
    wm = tot[:NSEG, :D2]
    si = tot[:NSEG, D2:]
    ev = 1.0 / si
    ev_ref[...] = ev
    emb_ref[...] = ev * wm


def _finalize(part):
    return pl.pallas_call(
        _finalize_body,
        out_shape=(jax.ShapeDtypeStruct((NSEG, D2), jnp.float32),
                   jax.ShapeDtypeStruct((NSEG, D2), jnp.float32)),
    )(part)


def _blockdiag(a, b):
    za = jnp.zeros(a.shape, jnp.float32)
    zb = jnp.zeros(b.shape, jnp.float32)
    return jnp.concatenate(
        [jnp.concatenate([a, zb], axis=1),
         jnp.concatenate([za, b], axis=1)], axis=0)


def kernel(x, x_idx, Omega1, b1, W1, Wlv1, Omega2, b2, W2, Wlv2):
    bd1 = _blockdiag(W1, jnp.exp(Wlv1))
    bd2 = _blockdiag(Omega2, Omega2 * Omega2)
    bd3 = _blockdiag(W2, jnp.exp(Wlv2))
    ssum = jnp.zeros((YW, YW), jnp.float32).at[:D2, :D2].set(1.0)
    idx2 = x_idx.astype(jnp.int32).reshape(NCHUNK, CHUNK)
    part = jnp.zeros((NC, NPAD, YW), jnp.float32)
    y = _dense(x, Omega1, b1.reshape(1, NRFF), bd1, bd2,
               b2.reshape(1, NRFF), bd3, ssum)
    part = _scatter(y, idx2, part)
    emb, ev = _finalize(part)
    return emb, ev

# --- scband reference (transcript-rebuilt; emitter-appended) ---
"""Pipeline reference for scband-dgp-rff-36249523978481 (READ-ONLY COPY).

The authoritative reference and input builder live on the scoring server;
editing this copy changes nothing except your own understanding.
"""

import jax, jax.numpy as jnp
import numpy as np

N_RFF = 64

def _dgp_layer(x, x_var, Omega, b, W, Wlv):
    n_rff = Omega.shape[1]
    proj = x @ Omega + b
    if x_var is None:
        phi = jnp.sqrt(2.0 / n_rff) * jnp.cos(proj)
    else:
        # moment-propagated RFF: E[cos(a)] for a ~ N(proj, proj_var)
        proj_var = x_var @ (Omega ** 2)
        phi = jnp.sqrt(2.0 / n_rff) * jnp.cos(proj) * jnp.exp(-0.5 * proj_var)
    mean = phi @ W
    var = (phi ** 2) @ jnp.exp(Wlv)
    return mean, var

def setup_inputs(seed: int = 0):
    key = jax.random.key(seed)
    ks = jax.random.split(key, 10)
    x = jax.random.normal(ks[0], (320000, 128), dtype=jnp.float32)
    x_idx = jnp.sort(jax.random.randint(ks[1], (320000,), 0, 10000))
    prior_std = 1.0  # prior_prec = 1.0
    Omega1 = jax.random.normal(ks[2], (128, N_RFF), dtype=jnp.float32) * prior_std
    b1 = jax.random.uniform(ks[3], (N_RFF,), dtype=jnp.float32, minval=0.0, maxval=2.0 * np.pi)
    W1 = jax.random.normal(ks[4], (N_RFF, 32), dtype=jnp.float32) * 0.1
    Wlv1 = jax.random.normal(ks[5], (N_RFF, 32), dtype=jnp.float32) * 0.1 - 3.0
    Omega2 = jax.random.normal(ks[6], (32, N_RFF), dtype=jnp.float32) * prior_std
    b2 = jax.random.uniform(ks[7], (N_RFF,), dtype=jnp.float32, minval=0.0, maxval=2.0 * np.pi)
    W2 = jax.random.normal(ks[8], (N_RFF, 16), dtype=jnp.float32) * 0.1
    Wlv2 = jax.random.normal(ks[9], (N_RFF, 16), dtype=jnp.float32) * 0.1 - 3.0
    return {"x": x, "x_idx": x_idx, "Omega1": Omega1, "b1": b1, "W1": W1, "Wlv1": Wlv1,
            "Omega2": Omega2, "b2": b2, "W2": W2, "Wlv2": Wlv2}

def reference(x, x_idx, Omega1, b1, W1, Wlv1, Omega2, b2, W2, Wlv2):
    m, v = _dgp_layer(x, None, Omega1, b1, W1, Wlv1)
    m, v = _dgp_layer(m, v, Omega2, b2, W2, Wlv2)
    # normalize=True: L2 normalize means along dim 1 (torch F.normalize semantics)
    norm = jnp.maximum(jnp.linalg.norm(m, ord=2, axis=1, keepdims=True), 1e-12)
    m = m / norm
    # aggregate_embeddings: inverse-variance weighted segment reduction
    N = 10000
    inv_vars = 1.0 / v
    sum_inv = jax.ops.segment_sum(inv_vars, x_idx, num_segments=N)
    sum_wm = jax.ops.segment_sum(inv_vars * m, x_idx, num_segments=N)
    embed_vars = 1.0 / sum_inv
    return (embed_vars * sum_wm, embed_vars)

if __name__ == "__main__":
    import jax
    _d = setup_inputs()
    print(jax.jit(kernel)(*tuple(_d.values())))

</pallas_src>

<mosaic_0001>
#map = affine_map<(d0, d1) -> (0, 0)>
#map1 = affine_map<(d0, d1) -> (0, 0, 0)>
module attributes {stable_mosaic.version = 14 : i64} {
  func.func @_scatter_body(%arg0: i32, %arg1: i32, %arg2: memref<320000x32xf32, #tpu.memory_space<hbm>>, %arg3: memref<2500x128xi32, #tpu.memory_space<hbm>>, %arg4: memref<2x10112x32xf32, #tpu.memory_space<hbm>>, %arg5: memref<2x10112x32xf32, #tpu.memory_space<hbm>>, %arg6: memref<128xi32, #tpu.memory_space<vmem>>, %arg7: memref<128x32xf32, #tpu.memory_space<vmem>>, %arg8: memref<10112x32xf32, #tpu.memory_space<vmem_shared>>) attributes {dimension_semantics = [#tpu.dimension_semantics<core_parallel>, #tpu.dimension_semantics<subcore_parallel>], iteration_bounds = array<i64: 2, 16>, scalar_prefetch = 0 : i64, scratch_operands = 3 : i64, tpu.core_type = #tpu.core_type<sc_vector_subcore>, window_params = [{transform_indices = #map}, {transform_indices = #map}, {transform_indices = #map1}, {transform_indices = #map1}]} {
    %mul3A = arith.constant 2 : i32
    %mul3A_0 = arith.muli %arg1, %mul3A : i32
    %add3A = arith.addi %mul3A_0, %arg0 : i32
    %mul3A_1 = arith.constant 632 : i32
    %mul3A_2 = arith.muli %arg1, %mul3A_1 : i32
    %multiple_of3A = tpu.assume_multiple %mul3A_2, 8 : i32
    "tpu.region"() ({
      %run_scoped3A = tpu.sem_alloc : memref<!tpu.dma_semaphore, #tpu.memory_space<semaphore_mem>>
      %dma_start3A = arith.constant 0 : i32
      %dma_start3A_27 = tpu.memref_slice %arg8[%multiple_of3A, %dma_start3A] : memref<10112x32xf32, #tpu.memory_space<vmem_shared>> -> memref<632x32xf32, #tpu.memory_space<vmem_shared>>
      %dma_start3A_28 = arith.constant 0 : i32
      %dma_start3A_29 = arith.constant 0 : i32
      %dma_start3A_30 = tpu.memref_slice %arg4[%arg0, %dma_start3A_28, %dma_start3A_29] : memref<2x10112x32xf32, #tpu.memory_space<hbm>> -> memref<1x10112x32xf32, #tpu.memory_space<hbm>>
      %dma_start3A_31 = tpu.memref_squeeze %dma_start3A_30 : memref<1x10112x32xf32, #tpu.memory_space<hbm>> -> memref<10112x32xf32, #tpu.memory_space<hbm>>
      %dma_start3A_32 = arith.constant 0 : i32
      %dma_start3A_33 = tpu.memref_slice %dma_start3A_31[%multiple_of3A, %dma_start3A_32] : memref<10112x32xf32, #tpu.memory_space<hbm>> -> memref<632x32xf32, #tpu.memory_space<hbm>>
      tpu.enqueue_dma source(%dma_start3A_33 : memref<632x32xf32, #tpu.memory_space<hbm>>) target(%dma_start3A_27 : memref<632x32xf32, #tpu.memory_space<vmem_shared>>) target_semaphore(%run_scoped3A : memref<!tpu.dma_semaphore, #tpu.memory_space<semaphore_mem>>)
      %dma_wait3A = arith.constant 0 : i32
      %dma_wait3A_34 = tpu.memref_slice %arg8[%multiple_of3A, %dma_wait3A] : memref<10112x32xf32, #tpu.memory_space<vmem_shared>> -> memref<632x32xf32, #tpu.memory_space<vmem_shared>>
      %dma_wait3A_35 = arith.constant 0 : i32
      %dma_wait3A_36 = arith.constant 0 : i32
      %dma_wait3A_37 = tpu.memref_slice %arg4[%arg0, %dma_wait3A_35, %dma_wait3A_36] : memref<2x10112x32xf32, #tpu.memory_space<hbm>> -> memref<1x10112x32xf32, #tpu.memory_space<hbm>>
      %dma_wait3A_38 = tpu.memref_squeeze %dma_wait3A_37 : memref<1x10112x32xf32, #tpu.memory_space<hbm>> -> memref<10112x32xf32, #tpu.memory_space<hbm>>
      %dma_wait3A_39 = arith.constant 0 : i32
      %dma_wait3A_40 = tpu.memref_slice %dma_wait3A_38[%multiple_of3A, %dma_wait3A_39] : memref<10112x32xf32, #tpu.memory_space<hbm>> -> memref<632x32xf32, #tpu.memory_space<hbm>>
      tpu.wait_dma2 semaphore(%run_scoped3A : memref<!tpu.dma_semaphore, #tpu.memory_space<semaphore_mem>>) src(%dma_wait3A_40 : memref<632x32xf32, #tpu.memory_space<hbm>>) dst(%dma_wait3A_34 : memref<632x32xf32, #tpu.memory_space<vmem_shared>>)
      tpu.yield
    }) : () -> ()
    %mul3A_3 = arith.constant 2500 : i32
    %mul3A_4 = arith.muli %add3A, %mul3A_3 : i32
    %shift_right_arithmetic3A = arith.constant 8 : i32
    %shift_right_arithmetic3A_5 = arith.shrsi %mul3A_4, %shift_right_arithmetic3A : i32
    %shift_left3A = arith.constant 3 : i32
    %shift_left3A_6 = arith.shli %shift_right_arithmetic3A_5, %shift_left3A : i32
    %multiple_of3A_7 = tpu.assume_multiple %shift_left3A_6, 8 : i32
    %add3A_8 = arith.constant 1 : i32
    %add3A_9 = arith.addi %add3A, %add3A_8 : i32
    %mul3A_10 = arith.constant 2500 : i32
    %mul3A_11 = arith.muli %add3A_9, %mul3A_10 : i32
    %shift_right_arithmetic3A_12 = arith.constant 8 : i32
    %shift_right_arithmetic3A_13 = arith.shrsi %mul3A_11, %shift_right_arithmetic3A_12 : i32
    %shift_left3A_14 = arith.constant 3 : i32
    %shift_left3A_15 = arith.shli %shift_right_arithmetic3A_13, %shift_left3A_14 : i32
    %eq3A = arith.constant 31 : i32
    %eq3A_16 = arith.cmpi eq, %add3A, %eq3A : i32
    %jit3A = arith.constant 2500 : i32
    %select_n3A = arith.select %eq3A_16, %jit3A, %shift_left3A_15 : i32
    %sub3A = arith.subi %select_n3A, %multiple_of3A_7 : i32
    %barrier3A = arith.constant 0 : index
    tpu.barrier barrier_id(%barrier3A)
    %while3A = arith.constant 0 : i32
    %while3A_17 = arith.constant 0 : i32
    %while3A_18 = arith.subi %sub3A, %while3A_17 : i32
    %while3A_19 = arith.addi %while3A_17, %while3A_18 : i32
    %while3A_20 = arith.constant 1 : i32
    %while3A_21 = arith.divsi %while3A_18, %while3A_20 : i32
    %while3A_22 = arith.muli %while3A_21, %while3A_20 : i32
    %while3A_23 = arith.addi %while3A_17, %while3A_22 : i32
    %while3A_24 = arith.constant 1 : i32
    scf.for %while3A_27 = %while3A_17 to %while3A_23 step %while3A_24  : i32 {
      %add3A_28 = arith.addi %multiple_of3A_7, %while3A_27 : i32
      %mul3A_29 = arith.constant 128 : i32
      %mul3A_30 = arith.muli %add3A_28, %mul3A_29 : i32
      %multiple_of3A_31 = tpu.assume_multiple %mul3A_30, 8 : i32
      %add3A_32 = arith.addi %multiple_of3A_7, %while3A_27 : i32
      "tpu.region"() ({
        %run_scoped3A = tpu.sem_alloc : memref<!tpu.dma_semaphore, #tpu.memory_space<semaphore_mem>>
        %dma_start3A = arith.constant 0 : i32
        %dma_start3A_33 = tpu.memref_slice %arg3[%add3A_32, %dma_start3A] : memref<2500x128xi32, #tpu.memory_space<hbm>> -> memref<1x128xi32, #tpu.memory_space<hbm>>
        %dma_start3A_34 = tpu.memref_squeeze %dma_start3A_33 : memref<1x128xi32, #tpu.memory_space<hbm>> -> memref<128xi32, #tpu.memory_space<hbm>>
        %dma_start3A_35 = arith.constant 0 : i32
        %dma_start3A_36 = tpu.memref_slice %arg3[%add3A_32, %dma_start3A_35] : memref<2500x128xi32, #tpu.memory_space<hbm>> -> memref<1x128xi32, #tpu.memory_space<hbm>>
        %dma_start3A_37 = tpu.memref_squeeze %dma_start3A_36 : memref<1x128xi32, #tpu.memory_space<hbm>> -> memref<128xi32, #tpu.memory_space<hbm>>
        tpu.enqueue_dma source(%dma_start3A_37 : memref<128xi32, #tpu.memory_space<hbm>>) target(%arg6 : memref<128xi32, #tpu.memory_space<vmem>>) target_semaphore(%run_scoped3A : memref<!tpu.dma_semaphore, #tpu.memory_space<semaphore_mem>>)
        %dma_wait3A = arith.constant 0 : i32
        %dma_wait3A_38 = tpu.memref_slice %arg3[%add3A_32, %dma_wait3A] : memref<2500x128xi32, #tpu.memory_space<hbm>> -> memref<1x128xi32, #tpu.memory_space<hbm>>
        %dma_wait3A_39 = tpu.memref_squeeze %dma_wait3A_38 : memref<1x128xi32, #tpu.memory_space<hbm>> -> memref<128xi32, #tpu.memory_space<hbm>>
        %dma_wait3A_40 = arith.constant 0 : i32
        %dma_wait3A_41 = tpu.memref_slice %arg3[%add3A_32, %dma_wait3A_40] : memref<2500x128xi32, #tpu.memory_space<hbm>> -> memref<1x128xi32, #tpu.memory_space<hbm>>
        %dma_wait3A_42 = tpu.memref_squeeze %dma_wait3A_41 : memref<1x128xi32, #tpu.memory_space<hbm>> -> memref<128xi32, #tpu.memory_space<hbm>>
        tpu.wait_dma2 semaphore(%run_scoped3A : memref<!tpu.dma_semaphore, #tpu.memory_space<semaphore_mem>>) src(%dma_wait3A_42 : memref<128xi32, #tpu.memory_space<hbm>>) dst(%arg6 : memref<128xi32, #tpu.memory_space<vmem>>)
        tpu.yield
      }) : () -> ()
      "tpu.region"() ({
        %run_scoped3A = tpu.sem_alloc : memref<!tpu.dma_semaphore, #tpu.memory_space<semaphore_mem>>
        %dma_start3A = arith.constant 0 : i32
        %dma_start3A_33 = tpu.memref_slice %arg2[%multiple_of3A_31, %dma_start3A] : memref<320000x32xf32, #tpu.memory_space<hbm>> -> memref<128x32xf32, #tpu.memory_space<hbm>>
        %dma_start3A_34 = arith.constant 0 : i32
        %dma_start3A_35 = tpu.memref_slice %arg2[%multiple_of3A_31, %dma_start3A_34] : memref<320000x32xf32, #tpu.memory_space<hbm>> -> memref<128x32xf32, #tpu.memory_space<hbm>>
        tpu.enqueue_dma source(%dma_start3A_35 : memref<128x32xf32, #tpu.memory_space<hbm>>) target(%arg7 : memref<128x32xf32, #tpu.memory_space<vmem>>) target_semaphore(%run_scoped3A : memref<!tpu.dma_semaphore, #tpu.memory_space<semaphore_mem>>)
        %dma_wait3A = arith.constant 0 : i32
        %dma_wait3A_36 = tpu.memref_slice %arg2[%multiple_of3A_31, %dma_wait3A] : memref<320000x32xf32, #tpu.memory_space<hbm>> -> memref<128x32xf32, #tpu.memory_space<hbm>>
        %dma_wait3A_37 = arith.constant 0 : i32
        %dma_wait3A_38 = tpu.memref_slice %arg2[%multiple_of3A_31, %dma_wait3A_37] : memref<320000x32xf32, #tpu.memory_space<hbm>> -> memref<128x32xf32, #tpu.memory_space<hbm>>
        tpu.wait_dma2 semaphore(%run_scoped3A : memref<!tpu.dma_semaphore, #tpu.memory_space<semaphore_mem>>) src(%dma_wait3A_38 : memref<128x32xf32, #tpu.memory_space<hbm>>) dst(%arg7 : memref<128x32xf32, #tpu.memory_space<vmem>>)
        tpu.yield
      }) : () -> ()
      "tpu.region"() ({
        %run_scoped3A = tpu.sem_alloc : memref<!tpu.dma_semaphore, #tpu.memory_space<semaphore_mem>>
        %dma_start3A = arith.constant 0 : i32
        %dma_start3A_33 = arith.constant 0 : i32
        %dma_start3A_34 = tpu.memref_slice %arg8[%dma_start3A, %dma_start3A_33] : memref<10112x32xf32, #tpu.memory_space<vmem_shared>> -> memref<10112x32xf32, #tpu.memory_space<vmem_shared>>
        tpu.enqueue_indirect_dma source(%arg7 : memref<128x32xf32, #tpu.memory_space<vmem>>) target(%dma_start3A_34 : memref<10112x32xf32, #tpu.memory_space<vmem_shared>>) offsets(%arg6 : memref<128xi32, #tpu.memory_space<vmem>>) semaphore(%run_scoped3A : memref<!tpu.dma_semaphore, #tpu.memory_space<semaphore_mem>>) {add = true}
        %dma_wait3A = arith.constant 0 : i32
        %dma_wait3A_35 = arith.constant 0 : i32
        %dma_wait3A_36 = tpu.memref_slice %arg8[%dma_wait3A, %dma_wait3A_35] : memref<10112x32xf32, #tpu.memory_space<vmem_shared>> -> memref<10112x32xf32, #tpu.memory_space<vmem_shared>>
        tpu.wait_indirect_dma semaphore(%run_scoped3A : memref<!tpu.dma_semaphore, #tpu.memory_space<semaphore_mem>>) src(%arg7 : memref<128x32xf32, #tpu.memory_space<vmem>>) dst(%dma_wait3A_36 : memref<10112x32xf32, #tpu.memory_space<vmem_shared>>)
        tpu.yield
      }) : () -> ()
    }
    %while3A_25 = arith.constant 1 : i32
    scf.for %while3A_27 = %while3A_23 to %while3A_19 step %while3A_25  : i32 {
      %add3A_28 = arith.addi %multiple_of3A_7, %while3A_27 : i32
      %mul3A_29 = arith.constant 128 : i32
      %mul3A_30 = arith.muli %add3A_28, %mul3A_29 : i32
      %multiple_of3A_31 = tpu.assume_multiple %mul3A_30, 8 : i32
      %add3A_32 = arith.addi %multiple_of3A_7, %while3A_27 : i32
      "tpu.region"() ({
        %run_scoped3A = tpu.sem_alloc : memref<!tpu.dma_semaphore, #tpu.memory_space<semaphore_mem>>
        %dma_start3A = arith.constant 0 : i32
        %dma_start3A_33 = tpu.memref_slice %arg3[%add3A_32, %dma_start3A] : memref<2500x128xi32, #tpu.memory_space<hbm>> -> memref<1x128xi32, #tpu.memory_space<hbm>>
        %dma_start3A_34 = tpu.memref_squeeze %dma_start3A_33 : memref<1x128xi32, #tpu.memory_space<hbm>> -> memref<128xi32, #tpu.memory_space<hbm>>
        %dma_start3A_35 = arith.constant 0 : i32
        %dma_start3A_36 = tpu.memref_slice %arg3[%add3A_32, %dma_start3A_35] : memref<2500x128xi32, #tpu.memory_space<hbm>> -> memref<1x128xi32, #tpu.memory_space<hbm>>
        %dma_start3A_37 = tpu.memref_squeeze %dma_start3A_36 : memref<1x128xi32, #tpu.memory_space<hbm>> -> memref<128xi32, #tpu.memory_space<hbm>>
        tpu.enqueue_dma source(%dma_start3A_37 : memref<128xi32, #tpu.memory_space<hbm>>) target(%arg6 : memref<128xi32, #tpu.memory_space<vmem>>) target_semaphore(%run_scoped3A : memref<!tpu.dma_semaphore, #tpu.memory_space<semaphore_mem>>)
        %dma_wait3A = arith.constant 0 : i32
        %dma_wait3A_38 = tpu.memref_slice %arg3[%add3A_32, %dma_wait3A] : memref<2500x128xi32, #tpu.memory_space<hbm>> -> memref<1x128xi32, #tpu.memory_space<hbm>>
        %dma_wait3A_39 = tpu.memref_squeeze %dma_wait3A_38 : memref<1x128xi32, #tpu.memory_space<hbm>> -> memref<128xi32, #tpu.memory_space<hbm>>
        %dma_wait3A_40 = arith.constant 0 : i32
        %dma_wait3A_41 = tpu.memref_slice %arg3[%add3A_32, %dma_wait3A_40] : memref<2500x128xi32, #tpu.memory_space<hbm>> -> memref<1x128xi32, #tpu.memory_space<hbm>>
        %dma_wait3A_42 = tpu.memref_squeeze %dma_wait3A_41 : memref<1x128xi32, #tpu.memory_space<hbm>> -> memref<128xi32, #tpu.memory_space<hbm>>
        tpu.wait_dma2 semaphore(%run_scoped3A : memref<!tpu.dma_semaphore, #tpu.memory_space<semaphore_mem>>) src(%dma_wait3A_42 : memref<128xi32, #tpu.memory_space<hbm>>) dst(%arg6 : memref<128xi32, #tpu.memory_space<vmem>>)
        tpu.yield
      }) : () -> ()
      "tpu.region"() ({
        %run_scoped3A = tpu.sem_alloc : memref<!tpu.dma_semaphore, #tpu.memory_space<semaphore_mem>>
        %dma_start3A = arith.constant 0 : i32
        %dma_start3A_33 = tpu.memref_slice %arg2[%multiple_of3A_31, %dma_start3A] : memref<320000x32xf32, #tpu.memory_space<hbm>> -> memref<128x32xf32, #tpu.memory_space<hbm>>
        %dma_start3A_34 = arith.constant 0 : i32
        %dma_start3A_35 = tpu.memref_slice %arg2[%multiple_of3A_31, %dma_start3A_34] : memref<320000x32xf32, #tpu.memory_space<hbm>> -> memref<128x32xf32, #tpu.memory_space<hbm>>
        tpu.enqueue_dma source(%dma_start3A_35 : memref<128x32xf32, #tpu.memory_space<hbm>>) target(%arg7 : memref<128x32xf32, #tpu.memory_space<vmem>>) target_semaphore(%run_scoped3A : memref<!tpu.dma_semaphore, #tpu.memory_space<semaphore_mem>>)
        %dma_wait3A = arith.constant 0 : i32
        %dma_wait3A_36 = tpu.memref_slice %arg2[%multiple_of3A_31, %dma_wait3A] : memref<320000x32xf32, #tpu.memory_space<hbm>> -> memref<128x32xf32, #tpu.memory_space<hbm>>
        %dma_wait3A_37 = arith.constant 0 : i32
        %dma_wait3A_38 = tpu.memref_slice %arg2[%multiple_of3A_31, %dma_wait3A_37] : memref<320000x32xf32, #tpu.memory_space<hbm>> -> memref<128x32xf32, #tpu.memory_space<hbm>>
        tpu.wait_dma2 semaphore(%run_scoped3A : memref<!tpu.dma_semaphore, #tpu.memory_space<semaphore_mem>>) src(%dma_wait3A_38 : memref<128x32xf32, #tpu.memory_space<hbm>>) dst(%arg7 : memref<128x32xf32, #tpu.memory_space<vmem>>)
        tpu.yield
      }) : () -> ()
      "tpu.region"() ({
        %run_scoped3A = tpu.sem_alloc : memref<!tpu.dma_semaphore, #tpu.memory_space<semaphore_mem>>
        %dma_start3A = arith.constant 0 : i32
        %dma_start3A_33 = arith.constant 0 : i32
        %dma_start3A_34 = tpu.memref_slice %arg8[%dma_start3A, %dma_start3A_33] : memref<10112x32xf32, #tpu.memory_space<vmem_shared>> -> memref<10112x32xf32, #tpu.memory_space<vmem_shared>>
        tpu.enqueue_indirect_dma source(%arg7 : memref<128x32xf32, #tpu.memory_space<vmem>>) target(%dma_start3A_34 : memref<10112x32xf32, #tpu.memory_space<vmem_shared>>) offsets(%arg6 : memref<128xi32, #tpu.memory_space<vmem>>) semaphore(%run_scoped3A : memref<!tpu.dma_semaphore, #tpu.memory_space<semaphore_mem>>) {add = true}
        %dma_wait3A = arith.constant 0 : i32
        %dma_wait3A_35 = arith.constant 0 : i32
        %dma_wait3A_36 = tpu.memref_slice %arg8[%dma_wait3A, %dma_wait3A_35] : memref<10112x32xf32, #tpu.memory_space<vmem_shared>> -> memref<10112x32xf32, #tpu.memory_space<vmem_shared>>
        tpu.wait_indirect_dma semaphore(%run_scoped3A : memref<!tpu.dma_semaphore, #tpu.memory_space<semaphore_mem>>) src(%arg7 : memref<128x32xf32, #tpu.memory_space<vmem>>) dst(%dma_wait3A_36 : memref<10112x32xf32, #tpu.memory_space<vmem_shared>>)
        tpu.yield
      }) : () -> ()
    }
    %barrier3A_26 = arith.constant 0 : index
    tpu.barrier barrier_id(%barrier3A_26)
    "tpu.region"() ({
      %run_scoped3A = tpu.sem_alloc : memref<!tpu.dma_semaphore, #tpu.memory_space<semaphore_mem>>
      %dma_start3A = arith.constant 0 : i32
      %dma_start3A_27 = arith.constant 0 : i32
      %dma_start3A_28 = tpu.memref_slice %arg5[%arg0, %dma_start3A, %dma_start3A_27] : memref<2x10112x32xf32, #tpu.memory_space<hbm>> -> memref<1x10112x32xf32, #tpu.memory_space<hbm>>
      %dma_start3A_29 = tpu.memref_squeeze %dma_start3A_28 : memref<1x10112x32xf32, #tpu.memory_space<hbm>> -> memref<10112x32xf32, #tpu.memory_space<hbm>>
      %dma_start3A_30 = arith.constant 0 : i32
      %dma_start3A_31 = tpu.memref_slice %dma_start3A_29[%multiple_of3A, %dma_start3A_30] : memref<10112x32xf32, #tpu.memory_space<hbm>> -> memref<632x32xf32, #tpu.memory_space<hbm>>
      %dma_start3A_32 = arith.constant 0 : i32
      %dma_start3A_33 = tpu.memref_slice %arg8[%multiple_of3A, %dma_start3A_32] : memref<10112x32xf32, #tpu.memory_space<vmem_shared>> -> memref<632x32xf32, #tpu.memory_space<vmem_shared>>
      tpu.enqueue_dma source(%dma_start3A_33 : memref<632x32xf32, #tpu.memory_space<vmem_shared>>) target(%dma_start3A_31 : memref<632x32xf32, #tpu.memory_space<hbm>>) target_semaphore(%run_scoped3A : memref<!tpu.dma_semaphore, #tpu.memory_space<semaphore_mem>>)
      %dma_wait3A = arith.constant 0 : i32
      %dma_wait3A_34 = arith.constant 0 : i32
      %dma_wait3A_35 = tpu.memref_slice %arg5[%arg0, %dma_wait3A, %dma_wait3A_34] : memref<2x10112x32xf32, #tpu.memory_space<hbm>> -> memref<1x10112x32xf32, #tpu.memory_space<hbm>>
      %dma_wait3A_36 = tpu.memref_squeeze %dma_wait3A_35 : memref<1x10112x32xf32, #tpu.memory_space<hbm>> -> memref<10112x32xf32, #tpu.memory_space<hbm>>
      %dma_wait3A_37 = arith.constant 0 : i32
      %dma_wait3A_38 = tpu.memref_slice %dma_wait3A_36[%multiple_of3A, %dma_wait3A_37] : memref<10112x32xf32, #tpu.memory_space<hbm>> -> memref<632x32xf32, #tpu.memory_space<hbm>>
      %dma_wait3A_39 = arith.constant 0 : i32
      %dma_wait3A_40 = tpu.memref_slice %arg8[%multiple_of3A, %dma_wait3A_39] : memref<10112x32xf32, #tpu.memory_space<vmem_shared>> -> memref<632x32xf32, #tpu.memory_space<vmem_shared>>
      tpu.wait_dma2 semaphore(%run_scoped3A : memref<!tpu.dma_semaphore, #tpu.memory_space<semaphore_mem>>) src(%dma_wait3A_40 : memref<632x32xf32, #tpu.memory_space<vmem_shared>>) dst(%dma_wait3A_38 : memref<632x32xf32, #tpu.memory_space<hbm>>)
      tpu.yield
    }) : () -> ()
    return
  }
}

module attributes {stable_mosaic.version = 14 : i64} {
  func.func @_finalize_body(%arg0: memref<2x10112x32xf32, #tpu.memory_space<vmem>>, %arg1: memref<10000x16xf32, #tpu.memory_space<vmem>>, %arg2: memref<10000x16xf32, #tpu.memory_space<vmem>>) attributes {dimension_semantics = [], scalar_prefetch = 0 : i64, scratch_operands = 0 : i64, tpu.core_type = #tpu.core_type<tc>} {
    %get3A = arith.constant 0 : index
    %get3A_0 = arith.constant 0 : index
    %get3A_1 = arith.constant 0 : index
    %get3A_2 = vector.load %arg0[%get3A, %get3A_0, %get3A_1] : memref<2x10112x32xf32, #tpu.memory_space<vmem>>, vector<2x10112x32xf32>
    %reduce_sum3A = arith.constant dense<0.000000e+00> : vector<10112x32xf32>
    %reduce_sum3A_3 = vector.multi_reduction <add>, %get3A_2, %reduce_sum3A [0] : vector<2x10112x32xf32> to vector<10112x32xf32>
    %slice3A = vector.extract_strided_slice %reduce_sum3A_3 {offsets = [0, 0], sizes = [10000, 16], strides = [1, 1]} : vector<10112x32xf32> to vector<10000x16xf32>
    %slice3A_4 = vector.extract_strided_slice %reduce_sum3A_3 {offsets = [0, 16], sizes = [10000, 16], strides = [1, 1]} : vector<10112x32xf32> to vector<10000x16xf32>
    %div3A = arith.constant 1.000000e+00 : f32
    %div3A_5 = vector.broadcast %div3A : f32 to vector<10000x16xf32>
    %div3A_6 = arith.divf %div3A_5, %slice3A_4 : vector<10000x16xf32>
    %swap3A = arith.constant 0 : index
    %swap3A_7 = arith.constant 0 : index
    %swap3A_8 = vector.load %arg2[%swap3A, %swap3A_7] : memref<10000x16xf32, #tpu.memory_space<vmem>>, vector<10000x16xf32>
    tpu.vector_store %arg2[%swap3A, %swap3A_7], %div3A_6 {strides = array<i32>} : memref<10000x16xf32, #tpu.memory_space<vmem>>, vector<10000x16xf32>,
    %mul3A = arith.mulf %div3A_6, %slice3A : vector<10000x16xf32>
    %swap3A_9 = arith.constant 0 : index
    %swap3A_10 = arith.constant 0 : index
    %swap3A_11 = vector.load %arg1[%swap3A_9, %swap3A_10] : memref<10000x16xf32, #tpu.memory_space<vmem>>, vector<10000x16xf32>
    tpu.vector_store %arg1[%swap3A_9, %swap3A_10], %mul3A {strides = array<i32>} : memref<10000x16xf32, #tpu.memory_space<vmem>>, vector<10000x16xf32>,
    return
  }
}

module attributes {stable_mosaic.version = 14 : i64} {
  func.func @_dense_body(%arg0: i32, %arg1: memref<2000x128xf32, #tpu.memory_space<vmem>>, %arg2: memref<128x64xf32, #tpu.memory_space<vmem>>, %arg3: memref<1x64xf32, #tpu.memory_space<vmem>>, %arg4: memref<128x64xf32, #tpu.memory_space<vmem>>, %arg5: memref<64x128xf32, #tpu.memory_space<vmem>>, %arg6: memref<1x64xf32, #tpu.memory_space<vmem>>, %arg7: memref<128x32xf32, #tpu.memory_space<vmem>>, %arg8: memref<32x32xf32, #tpu.memory_space<vmem>>, %arg9: memref<2000x32xf32, #tpu.memory_space<vmem>>) attributes {dimension_semantics = [#tpu.dimension_semantics<arbitrary>], iteration_bounds = array<i64: 160>, scalar_prefetch = 0 : i64, scratch_operands = 0 : i64, tpu.core_type = #tpu.core_type<tc>, window_params = [{transform_indices = @transform_0, window_bounds = array<i64: 2000, 128>}, {pipeline_mode = #tpu.pipeline_mode<synchronous>, transform_indices = @transform_1, window_bounds = array<i64: 128, 64>}, {pipeline_mode = #tpu.pipeline_mode<synchronous>, transform_indices = @transform_2, window_bounds = array<i64: 1, 64>}, {pipeline_mode = #tpu.pipeline_mode<synchronous>, transform_indices = @transform_3, window_bounds = array<i64: 128, 64>}, {pipeline_mode = #tpu.pipeline_mode<synchronous>, transform_indices = @transform_4, window_bounds = array<i64: 64, 128>}, {pipeline_mode = #tpu.pipeline_mode<synchronous>, transform_indices = @transform_5, window_bounds = array<i64: 1, 64>}, {pipeline_mode = #tpu.pipeline_mode<synchronous>, transform_indices = @transform_6, window_bounds = array<i64: 128, 32>}, {pipeline_mode = #tpu.pipeline_mode<synchronous>, transform_indices = @transform_7, window_bounds = array<i64: 32, 32>}, {transform_indices = @transform_8, window_bounds = array<i64: 2000, 32>}]} {
    %get3A = arith.constant 0 : index
    %get3A_0 = arith.constant 0 : index
    %get3A_1 = vector.load %arg1[%get3A, %get3A_0] : memref<2000x128xf32, #tpu.memory_space<vmem>>, vector<2000x128xf32>
    %get3A_2 = arith.constant 0 : index
    %get3A_3 = arith.constant 0 : index
    %get3A_4 = vector.load %arg2[%get3A_2, %get3A_3] : memref<128x64xf32, #tpu.memory_space<vmem>>, vector<128x64xf32>
    %dot_general3A = arith.constant dense<0.000000e+00> : vector<2000x64xf32>
    %dot_general3A_5 = tpu.matmul %get3A_1, %get3A_4, %dot_general3A {dimension_numbers = #tpu.dot_dimension_numbers<[1], [0], [0], [1], [0, 0, 1, 1], [], []>, precision = #tpu.contract_precision<fp32>, transpose_lhs_hint = false} : vector<2000x128xf32>, vector<128x64xf32>, vector<2000x64xf32> -> vector<2000x64xf32>
    %get3A_6 = arith.constant 0 : index
    %get3A_7 = arith.constant 0 : index
    %get3A_8 = vector.load %arg3[%get3A_6, %get3A_7] : memref<1x64xf32, #tpu.memory_space<vmem>>, vector<1x64xf32>
    %add3A = vector.broadcast %get3A_8 : vector<1x64xf32> to vector<2000x64xf32>
    %add3A_9 = arith.addf %dot_general3A_5, %add3A : vector<2000x64xf32>
    %mul3A = arith.constant 0.159154937 : f32
    %mul3A_10 = vector.broadcast %mul3A : f32 to vector<2000x64xf32>
    %mul3A_11 = arith.mulf %add3A_9, %mul3A_10 : vector<2000x64xf32>
    %add3A_12 = arith.constant 0x4B400000 : f32
    %add3A_13 = vector.broadcast %add3A_12 : f32 to vector<2000x64xf32>
    %add3A_14 = arith.addf %mul3A_11, %add3A_13 : vector<2000x64xf32>
    %sub3A = arith.constant 0x4B400000 : f32
    %sub3A_15 = vector.broadcast %sub3A : f32 to vector<2000x64xf32>
    %sub3A_16 = arith.subf %add3A_14, %sub3A_15 : vector<2000x64xf32>
    %sub3A_17 = arith.subf %mul3A_11, %sub3A_16 : vector<2000x64xf32>
    %mul3A_18 = arith.mulf %sub3A_17, %sub3A_17 : vector<2000x64xf32>
    %mul3A_19 = arith.constant -0.256854326 : f32
    %mul3A_20 = vector.broadcast %mul3A_19 : f32 to vector<2000x64xf32>
    %mul3A_21 = arith.mulf %mul3A_20, %mul3A_18 : vector<2000x64xf32>
    %add3A_22 = arith.constant 1.37886214 : f32
    %add3A_23 = vector.broadcast %add3A_22 : f32 to vector<2000x64xf32>
    %add3A_24 = arith.addf %mul3A_21, %add3A_23 : vector<2000x64xf32>
    %mul3A_25 = arith.mulf %add3A_24, %mul3A_18 : vector<2000x64xf32>
    %add3A_26 = arith.constant -4.66772318 : f32
    %add3A_27 = vector.broadcast %add3A_26 : f32 to vector<2000x64xf32>
    %add3A_28 = arith.addf %mul3A_25, %add3A_27 : vector<2000x64xf32>
    %mul3A_29 = arith.mulf %add3A_28, %mul3A_18 : vector<2000x64xf32>
    %add3A_30 = arith.constant 10.6494036 : f32
    %add3A_31 = vector.broadcast %add3A_30 : f32 to vector<2000x64xf32>
    %add3A_32 = arith.addf %mul3A_29, %add3A_31 : vector<2000x64xf32>
    %mul3A_33 = arith.mulf %add3A_32, %mul3A_18 : vector<2000x64xf32>
    %add3A_34 = arith.constant -15.1067457 : f32
    %add3A_35 = vector.broadcast %add3A_34 : f32 to vector<2000x64xf32>
    %add3A_36 = arith.addf %mul3A_33, %add3A_35 : vector<2000x64xf32>
    %mul3A_37 = arith.mulf %add3A_36, %mul3A_18 : vector<2000x64xf32>
    %add3A_38 = arith.constant 11.4797707 : f32
    %add3A_39 = vector.broadcast %add3A_38 : f32 to vector<2000x64xf32>
    %add3A_40 = arith.addf %mul3A_37, %add3A_39 : vector<2000x64xf32>
    %mul3A_41 = arith.mulf %add3A_40, %mul3A_18 : vector<2000x64xf32>
    %add3A_42 = arith.constant -3.4894321 : f32
    %add3A_43 = vector.broadcast %add3A_42 : f32 to vector<2000x64xf32>
    %add3A_44 = arith.addf %mul3A_41, %add3A_43 : vector<2000x64xf32>
    %mul3A_45 = arith.mulf %add3A_44, %mul3A_18 : vector<2000x64xf32>
    %add3A_46 = arith.constant 0.176776692 : f32
    %add3A_47 = vector.broadcast %add3A_46 : f32 to vector<2000x64xf32>
    %add3A_48 = arith.addf %mul3A_45, %add3A_47 : vector<2000x64xf32>
    %mul3A_49 = arith.mulf %add3A_48, %add3A_48 : vector<2000x64xf32>
    %concatenate3A = tpu.concatenate %add3A_48, %mul3A_49 in 1 : vector<2000x64xf32>, vector<2000x64xf32> -> vector<2000x128xf32>
    %get3A_50 = arith.constant 0 : index
    %get3A_51 = arith.constant 0 : index
    %get3A_52 = vector.load %arg4[%get3A_50, %get3A_51] : memref<128x64xf32, #tpu.memory_space<vmem>>, vector<128x64xf32>
    %dot_general3A_53 = arith.constant dense<0.000000e+00> : vector<2000x64xf32>
    %dot_general3A_54 = tpu.matmul %concatenate3A, %get3A_52, %dot_general3A_53 {dimension_numbers = #tpu.dot_dimension_numbers<[1], [0], [0], [1], [0, 0, 1, 1], [], []>, precision = #tpu.contract_precision<fp32>, transpose_lhs_hint = false} : vector<2000x128xf32>, vector<128x64xf32>, vector<2000x64xf32> -> vector<2000x64xf32>
    %get3A_55 = arith.constant 0 : index
    %get3A_56 = arith.constant 0 : index
    %get3A_57 = vector.load %arg5[%get3A_55, %get3A_56] : memref<64x128xf32, #tpu.memory_space<vmem>>, vector<64x128xf32>
    %dot_general3A_58 = arith.constant dense<0.000000e+00> : vector<2000x128xf32>
    %dot_general3A_59 = tpu.matmul %dot_general3A_54, %get3A_57, %dot_general3A_58 {dimension_numbers = #tpu.dot_dimension_numbers<[1], [0], [0], [1], [0, 0, 1, 1], [], []>, precision = #tpu.contract_precision<fp32>, transpose_lhs_hint = false} : vector<2000x64xf32>, vector<64x128xf32>, vector<2000x128xf32> -> vector<2000x128xf32>
    %slice3A = vector.extract_strided_slice %dot_general3A_59 {offsets = [0, 0], sizes = [2000, 64], strides = [1, 1]} : vector<2000x128xf32> to vector<2000x64xf32>
    %get3A_60 = arith.constant 0 : index
    %get3A_61 = arith.constant 0 : index
    %get3A_62 = vector.load %arg6[%get3A_60, %get3A_61] : memref<1x64xf32, #tpu.memory_space<vmem>>, vector<1x64xf32>
    %add3A_63 = vector.broadcast %get3A_62 : vector<1x64xf32> to vector<2000x64xf32>
    %add3A_64 = arith.addf %slice3A, %add3A_63 : vector<2000x64xf32>
    %slice3A_65 = vector.extract_strided_slice %dot_general3A_59 {offsets = [0, 64], sizes = [2000, 64], strides = [1, 1]} : vector<2000x128xf32> to vector<2000x64xf32>
    %mul3A_66 = arith.constant 0.159154937 : f32
    %mul3A_67 = vector.broadcast %mul3A_66 : f32 to vector<2000x64xf32>
    %mul3A_68 = arith.mulf %add3A_64, %mul3A_67 : vector<2000x64xf32>
    %add3A_69 = arith.constant 0x4B400000 : f32
    %add3A_70 = vector.broadcast %add3A_69 : f32 to vector<2000x64xf32>
    %add3A_71 = arith.addf %mul3A_68, %add3A_70 : vector<2000x64xf32>
    %sub3A_72 = arith.constant 0x4B400000 : f32
    %sub3A_73 = vector.broadcast %sub3A_72 : f32 to vector<2000x64xf32>
    %sub3A_74 = arith.subf %add3A_71, %sub3A_73 : vector<2000x64xf32>
    %sub3A_75 = arith.subf %mul3A_68, %sub3A_74 : vector<2000x64xf32>
    %mul3A_76 = arith.mulf %sub3A_75, %sub3A_75 : vector<2000x64xf32>
    %mul3A_77 = arith.constant -0.256854326 : f32
    %mul3A_78 = vector.broadcast %mul3A_77 : f32 to vector<2000x64xf32>
    %mul3A_79 = arith.mulf %mul3A_78, %mul3A_76 : vector<2000x64xf32>
    %add3A_80 = arith.constant 1.37886214 : f32
    %add3A_81 = vector.broadcast %add3A_80 : f32 to vector<2000x64xf32>
    %add3A_82 = arith.addf %mul3A_79, %add3A_81 : vector<2000x64xf32>
    %mul3A_83 = arith.mulf %add3A_82, %mul3A_76 : vector<2000x64xf32>
    %add3A_84 = arith.constant -4.66772318 : f32
    %add3A_85 = vector.broadcast %add3A_84 : f32 to vector<2000x64xf32>
    %add3A_86 = arith.addf %mul3A_83, %add3A_85 : vector<2000x64xf32>
    %mul3A_87 = arith.mulf %add3A_86, %mul3A_76 : vector<2000x64xf32>
    %add3A_88 = arith.constant 10.6494036 : f32
    %add3A_89 = vector.broadcast %add3A_88 : f32 to vector<2000x64xf32>
    %add3A_90 = arith.addf %mul3A_87, %add3A_89 : vector<2000x64xf32>
    %mul3A_91 = arith.mulf %add3A_90, %mul3A_76 : vector<2000x64xf32>
    %add3A_92 = arith.constant -15.1067457 : f32
    %add3A_93 = vector.broadcast %add3A_92 : f32 to vector<2000x64xf32>
    %add3A_94 = arith.addf %mul3A_91, %add3A_93 : vector<2000x64xf32>
    %mul3A_95 = arith.mulf %add3A_94, %mul3A_76 : vector<2000x64xf32>
    %add3A_96 = arith.constant 11.4797707 : f32
    %add3A_97 = vector.broadcast %add3A_96 : f32 to vector<2000x64xf32>
    %add3A_98 = arith.addf %mul3A_95, %add3A_97 : vector<2000x64xf32>
    %mul3A_99 = arith.mulf %add3A_98, %mul3A_76 : vector<2000x64xf32>
    %add3A_100 = arith.constant -3.4894321 : f32
    %add3A_101 = vector.broadcast %add3A_100 : f32 to vector<2000x64xf32>
    %add3A_102 = arith.addf %mul3A_99, %add3A_101 : vector<2000x64xf32>
    %mul3A_103 = arith.mulf %add3A_102, %mul3A_76 : vector<2000x64xf32>
    %add3A_104 = arith.constant 0.176776692 : f32
    %add3A_105 = vector.broadcast %add3A_104 : f32 to vector<2000x64xf32>
    %add3A_106 = arith.addf %mul3A_103, %add3A_105 : vector<2000x64xf32>
    %mul3A_107 = arith.constant -5.000000e-01 : f32
    %mul3A_108 = vector.broadcast %mul3A_107 : f32 to vector<2000x64xf32>
    %mul3A_109 = arith.mulf %mul3A_108, %slice3A_65 : vector<2000x64xf32>
    %exp3A = math.exp %mul3A_109 : vector<2000x64xf32>
    %mul3A_110 = arith.mulf %add3A_106, %exp3A : vector<2000x64xf32>
    %mul3A_111 = arith.mulf %mul3A_110, %mul3A_110 : vector<2000x64xf32>
    %concatenate3A_112 = tpu.concatenate %mul3A_110, %mul3A_111 in 1 : vector<2000x64xf32>, vector<2000x64xf32> -> vector<2000x128xf32>
    %get3A_113 = arith.constant 0 : index
    %get3A_114 = arith.constant 0 : index
    %get3A_115 = vector.load %arg7[%get3A_113, %get3A_114] : memref<128x32xf32, #tpu.memory_space<vmem>>, vector<128x32xf32>
    %dot_general3A_116 = arith.constant dense<0.000000e+00> : vector<2000x32xf32>
    %dot_general3A_117 = tpu.matmul %concatenate3A_112, %get3A_115, %dot_general3A_116 {dimension_numbers = #tpu.dot_dimension_numbers<[1], [0], [0], [1], [0, 0, 1, 1], [], []>, precision = #tpu.contract_precision<fp32>, transpose_lhs_hint = false} : vector<2000x128xf32>, vector<128x32xf32>, vector<2000x32xf32> -> vector<2000x32xf32>
    %mul3A_118 = arith.mulf %dot_general3A_117, %dot_general3A_117 : vector<2000x32xf32>
    %get3A_119 = arith.constant 0 : index
    %get3A_120 = arith.constant 0 : index
    %get3A_121 = vector.load %arg8[%get3A_119, %get3A_120] : memref<32x32xf32, #tpu.memory_space<vmem>>, vector<32x32xf32>
    %dot_general3A_122 = arith.constant dense<0.000000e+00> : vector<2000x32xf32>
    %dot_general3A_123 = tpu.matmul %mul3A_118, %get3A_121, %dot_general3A_122 {dimension_numbers = #tpu.dot_dimension_numbers<[1], [0], [0], [1], [0, 0, 1, 1], [], []>, precision = #tpu.contract_precision<fp32>, transpose_lhs_hint = false} : vector<2000x32xf32>, vector<32x32xf32>, vector<2000x32xf32> -> vector<2000x32xf32>
    %slice3A_124 = vector.extract_strided_slice %dot_general3A_117 {offsets = [0, 0], sizes = [2000, 16], strides = [1, 1]} : vector<2000x32xf32> to vector<2000x16xf32>
    %slice3A_125 = vector.extract_strided_slice %dot_general3A_117 {offsets = [0, 16], sizes = [2000, 16], strides = [1, 1]} : vector<2000x32xf32> to vector<2000x16xf32>
    %slice3A_126 = vector.extract_strided_slice %dot_general3A_123 {offsets = [0, 0], sizes = [2000, 16], strides = [1, 1]} : vector<2000x32xf32> to vector<2000x16xf32>
    %sqrt3A = math.sqrt %slice3A_126 : vector<2000x16xf32>
    %max3A = arith.constant 9.99999996E-13 : f32
    %max3A_127 = vector.broadcast %max3A : f32 to vector<2000x16xf32>
    %max3A_128 = arith.maximumf %sqrt3A, %max3A_127 : vector<2000x16xf32>
    %div3A = arith.constant 1.000000e+00 : f32
    %div3A_129 = vector.broadcast %div3A : f32 to vector<2000x16xf32>
    %div3A_130 = arith.divf %div3A_129, %slice3A_125 : vector<2000x16xf32>
    %div3A_131 = arith.divf %slice3A_124, %max3A_128 : vector<2000x16xf32>
    %mul3A_132 = arith.mulf %div3A_130, %div3A_131 : vector<2000x16xf32>
    %concatenate3A_133 = tpu.concatenate %mul3A_132, %div3A_130 in 1 : vector<2000x16xf32>, vector<2000x16xf32> -> vector<2000x32xf32>
    %swap3A = arith.constant 0 : index
    %swap3A_134 = arith.constant 0 : index
    %swap3A_135 = vector.load %arg9[%swap3A, %swap3A_134] : memref<2000x32xf32, #tpu.memory_space<vmem>>, vector<2000x32xf32>
    tpu.vector_store %arg9[%swap3A, %swap3A_134], %concatenate3A_133 {strides = array<i32>} : memref<2000x32xf32, #tpu.memory_space<vmem>>, vector<2000x32xf32>,
    return
  }
  func.func @transform_0(%arg0: i32) -> (i32, i32) {
    %c0_i32 = arith.constant 0 : i32
    %c0_i32_0 = arith.constant 0 : i32
    return %arg0, %c0_i32 : i32, i32
  }
  func.func @transform_1(%arg0: i32) -> (i32, i32) {
    %c0_i32 = arith.constant 0 : i32
    %c0_i32_0 = arith.constant 0 : i32
    %c0_i32_1 = arith.constant 0 : i32
    return %c0_i32, %c0_i32_0 : i32, i32
  }
  func.func @transform_2(%arg0: i32) -> (i32, i32) {
    %c0_i32 = arith.constant 0 : i32
    %c0_i32_0 = arith.constant 0 : i32
    %c0_i32_1 = arith.constant 0 : i32
    return %c0_i32, %c0_i32_0 : i32, i32
  }
  func.func @transform_3(%arg0: i32) -> (i32, i32) {
    %c0_i32 = arith.constant 0 : i32
    %c0_i32_0 = arith.constant 0 : i32
    %c0_i32_1 = arith.constant 0 : i32
    return %c0_i32, %c0_i32_0 : i32, i32
  }
  func.func @transform_4(%arg0: i32) -> (i32, i32) {
    %c0_i32 = arith.constant 0 : i32
    %c0_i32_0 = arith.constant 0 : i32
    %c0_i32_1 = arith.constant 0 : i32
    return %c0_i32, %c0_i32_0 : i32, i32
  }
  func.func @transform_5(%arg0: i32) -> (i32, i32) {
    %c0_i32 = arith.constant 0 : i32
    %c0_i32_0 = arith.constant 0 : i32
    %c0_i32_1 = arith.constant 0 : i32
    return %c0_i32, %c0_i32_0 : i32, i32
  }
  func.func @transform_6(%arg0: i32) -> (i32, i32) {
    %c0_i32 = arith.constant 0 : i32
    %c0_i32_0 = arith.constant 0 : i32
    %c0_i32_1 = arith.constant 0 : i32
    return %c0_i32, %c0_i32_0 : i32, i32
  }
  func.func @transform_7(%arg0: i32) -> (i32, i32) {
    %c0_i32 = arith.constant 0 : i32
    %c0_i32_0 = arith.constant 0 : i32
    %c0_i32_1 = arith.constant 0 : i32
    return %c0_i32, %c0_i32_0 : i32, i32
  }
  func.func @transform_8(%arg0: i32) -> (i32, i32) {
    %c0_i32 = arith.constant 0 : i32
    %c0_i32_0 = arith.constant 0 : i32
    return %arg0, %c0_i32 : i32, i32
  }
}

</mosaic_0001>

<sc_bundles>
// kernel: kernel.5.cloned.1.call-start
scs
__scs_entry_jumppad:
0x0: {  	(pc) =	sbr.rel $0x88, $3  }
0x1: {  	(tag) =	ssettag $0x0;
	lr =	simm.s32 $0x1  }
0x2: {  	[smem:$0x3F97] =	sst lr;
	_ =	strace $0xD0000000  }
0x3: {  	_ = 	snop  }
0x4: {  	_ = 	snop  }
0x5: {  	_ = 	snop  }
0x6: {  	_ = 	snop  }
0x7: {  	_ = 	snop  }
__scs_overlays_trampoline_lowered:
0x8: {  	[smem:$0x3FA6] =	sst s0  }
0x9: {  	[smem:$0x3FA7] =	sst s1  }
0xa: {  	[smem:$0x3FA8] =	sst s2  }
0xb: {  	[smem:$0x3FA9] =	sst s3  }
0xc: {  	[smem:$0x3FAA] =	sst s4  }
0xd: {  	[smem:$0x3FAB] =	sst s5  }
0xe: {  	[smem:$0x3FAC] =	sst s6  }
0xf: {  	[smem:$0x3FAD] =	sst s7  }
0x10: {  	[smem:$0x3FAE] =	sst s8  }
0x11: {  	[smem:$0x3FAF] =	sst s9;
	s0 =	simm.s32 @!p0 $0x0  }
0x12: {  	s1 =	sld [smem:$0x3F95];
	s0 =	simm.s32 @p0 $0x1  }
0x13: {  	[smem:$0x3FB0] =	sst s0;
	s0 =	simm.s32 @!p1 $0x0  }
0x14: {  	s2 =	sld [smem:$0x3F94];
	s0 =	simm.s32 @p1 $0x1  }
0x15: {  	[smem:$0x3FB1] =	sst s0;
	s0 =	simm.s32 @!p2 $0x0  }
0x16: {  	s3 =	sld [smem:$0x3FDB];
	s0 =	simm.s32 @p2 $0x1  }
0x17: {  	s4 =	simm.s32 $0x1BF5;
	[smem:$0x3FB3] =	sst s0  }
0x18: {  	s0 =	sld [smem:$0x3F96];
	_ =	swait.ge [sflag:s4], $0x0  }
0x19: {  	s7 =	sld [smem:$0x3F97]  }
0x1a: {  	s8 =	sadd.s32 $0xFFFFE003, lr  }
0x1b: {  	s9 =	sadd.s32 $0xFFFFFEF7, lr;
	s5 =	simm.s32 $0xFFFFFFFF;
	p2 =	slt.u32 s8, $0xFFFFF086  }
0x1c: {  	p1 =	slt.u32 s9, $0xF7A;
	s5 =	simm.s32 @!p2 $0x0  }
0x1d: {  	s5 =	simm.s32 @p1 $0x1;
	p0 =	seq.s32 s7, s2  }
0x1e: {  	s7 =	smul.u32 @!p0 $0xF7A, s2;
	p2 =	seq.s32 @!p0 s5, $0x0  }
0x1f: {  	s9 =	smul.u32 $0xF7A, s1;
	s8 =	simm.s32 @!p0 $0x1BF5;
	p2 =	por !p2, p0  }
0x20: {  	[sflag:s8] =	ssyncset.s32 @!p0 $0xFFFFF086;
	s6 =	sadd.s32 @!p0 s3, s7;
	s7 =	simm.s32 @!p0 $0x108  }
0x21: {  	s3 =	sadd.s32 s3, s9;
	s6 =	sadd.s32 @!p0 $0x88, s6;
	s7 =	simm.s32 @p2 $0x1082  }
0x22: {  	[simem:s7], [sflag:s8] =	dma.local @!p0 [hbm:s6], $0xF7A  }
0x23: {  	s9 =	sor.u32 $0xD0000000, s2;
	s6 =	simm.s32 $0x108;
	_ =	swait.ge @!p0 [sflag:s8], $0x0  }
0x24: {  	s3 =	sadd.s32 $0x88, s3;
	s6 =	simm.s32 @!p1 $0x1082;
	[sflag:s4] =	ssyncset.s32 $0xFFFFF086  }
0x25: {  	[simem:s6], [sflag:s4] =	dma.local [hbm:s3], $0xF7A  }
0x26: {  	[smem:$0x3F97] =	sst s1;
	(tag) =	ssettag s2;
	_ =	strace s9  }
0x27: {  	s1 =	sld [smem:$0x3FA7]  }
0x28: {  	s2 =	sld [smem:$0x3FA8]  }
0x29: {  	s4 =	sld [smem:$0x3FAA]  }
0x2a: {  	p0 =	seq.s32 s5, $0x0;
	s5 =	sld [smem:$0x3FAB]  }
0x2b: {  	s6 =	sld [smem:$0x3FAC]  }
0x2c: {  	s7 =	sld [smem:$0x3FAD]  }
0x2d: {  	s3 =	simm.s32 $0x108;
	s8 =	sld [smem:$0x3FAE]  }
0x2e: {  	s3 =	simm.s32 @!p0 $0x1082;
	s9 =	sld [smem:$0x3FAF]  }
0x2f: {  	lr =	sadd.s32 s0, s3;
	s0 =	sld [smem:$0x3FA6]  }
0x30: {  	s3 =	sld [smem:$0x3FA9]  }
0x31: {  	[smem:$0x3FB2] =	sst s10  }
0x32: {  	s10 =	sld [smem:$0x3FB0];
	_ =	sdelay $0x3  }
0x33: {  	p0 =	seq.s32 s10, $0x1;
	s10 =	sld [smem:$0x3FB2];
	_ =	sdelay $0x3  }
0x34: {  	[smem:$0x3FB2] =	sst s10  }
0x35: {  	s10 =	sld [smem:$0x3FB1];
	_ =	sdelay $0x3  }
0x36: {  	p1 =	seq.s32 s10, $0x1;
	s10 =	sld [smem:$0x3FB2];
	_ =	sdelay $0x3  }
0x37: {  	[smem:$0x3FB2] =	sst s10  }
0x38: {  	s10 =	sld [smem:$0x3FB3]  }
0x39: {  	_ = 	snop;
	(pc) =	sbr.ind lr, $3  }
0x3a: {  	_ = 	snop  }
0x3b: {  	_ = 	snop  }
0x3c: {  	p2 =	seq.s32 s10, $0x1;
	s10 =	sld [smem:$0x3FB2]  }
0x3d: {  	_ =	shalt  }
0x3e: {  	_ =	shalt  }
0x3f: {  	_ =	shalt  }
0x40: {  	_ =	shalt  }
0x41: {  	_ =	shalt  }
0x42: {  	_ =	shalt  }
0x43: {  	_ =	shalt  }
0x44: {  	_ =	shalt  }
0x45: {  	_ =	shalt  }
0x46: {  	_ =	shalt  }
0x47: {  	_ =	shalt  }
0x48: {  	_ =	shalt  }
0x49: {  	_ =	shalt  }
0x4a: {  	_ =	shalt  }
0x4b: {  	_ =	shalt  }
0x4c: {  	_ =	shalt  }
0x4d: {  	_ =	shalt  }
0x4e: {  	_ =	shalt  }
0x4f: {  	_ =	shalt  }
0x50: {  	_ =	shalt  }
0x51: {  	_ =	shalt  }
0x52: {  	_ =	shalt  }
0x53: {  	_ =	shalt  }
0x54: {  	_ =	shalt  }
0x55: {  	_ =	shalt  }
0x56: {  	_ =	shalt  }
0x57: {  	_ =	shalt  }
0x58: {  	_ =	shalt  }
0x59: {  	_ =	shalt  }
0x5a: {  	_ =	shalt  }
0x5b: {  	_ =	shalt  }
0x5c: {  	_ =	shalt  }
0x5d: {  	_ =	shalt  }
0x5e: {  	_ =	shalt  }
0x5f: {  	_ =	shalt  }
0x60: {  	_ =	shalt  }
0x61: {  	_ =	shalt  }
0x62: {  	_ =	shalt  }
0x63: {  	_ =	shalt  }
0x64: {  	_ =	shalt  }
0x65: {  	_ =	shalt  }
0x66: {  	_ =	shalt  }
0x67: {  	_ =	shalt  }
0x68: {  	_ =	shalt  }
0x69: {  	_ =	shalt  }
0x6a: {  	_ =	shalt  }
0x6b: {  	_ =	shalt  }
0x6c: {  	_ =	shalt  }
0x6d: {  	_ =	shalt  }
0x6e: {  	_ =	shalt  }
0x6f: {  	_ =	shalt  }
0x70: {  	_ =	shalt  }
0x71: {  	_ =	shalt  }
0x72: {  	_ =	shalt  }
0x73: {  	_ =	shalt  }
0x74: {  	_ =	shalt  }
0x75: {  	_ =	shalt  }
0x76: {  	_ =	shalt  }
0x77: {  	_ =	shalt  }
0x78: {  	_ =	shalt  }
0x79: {  	_ =	shalt  }
0x7a: {  	_ =	shalt  }
0x7b: {  	_ =	shalt  }
0x7c: {  	_ =	shalt  }
0x7d: {  	_ =	shalt  }
0x7e: {  	_ =	shalt  }
0x7f: {  	_ =	shalt  }
0x80: {  	_ =	shalt  }
0x81: {  	_ =	shalt  }
0x82: {  	_ =	shalt  }
0x83: {  	_ =	shalt  }
0x84: {  	_ =	shalt  }
0x85: {  	_ =	shalt  }
0x86: {  	_ =	shalt  }
0x87: {  	_ =	shalt  }
.Lfunc_end0:
.L_simem_size_0:
called_computation_lowered:
.L_overlay_start_0:
0x88: {  	s2 =	sld [smem:$0x3FD9]  }
0x89: {  	s3 =	sld [smem:$0x3FFE];
	_ =	sdelay $0x1  }
0x8a: {  	s1 =	srdreg.scid  }
0x8b: {  	s0 =	sand.u32 $0x1, s1  }
0x8c: {  	s17 =	sshll.u32 s0, $0xA;
	s2 =	sadd.s32 s3, s2  }
0x8d: {  	s2 =	sadd.s32 s2, s17  }
0x8e: {  	[smem:$0x3FBE] =	sst s2  }
0x8f: {  	_ = 	snop  }
0x90: {  	s2 =	sld [smem:$0x3FC8];
	(tm) =	ssettm $0x1  }
0x91: {  	s18 =	sld [smem:$0x3FFB];
	_ =	sdelay $0x3  }
0x92: {  	_ =	strace s18  }
0x93: {  	s3 =	sld [smem:$0x3FFC];
	_ =	sdelay $0x3  }
0x94: {  	_ =	strace s3  }
0x95: {  	s3 =	sld [smem:$0x3FFD];
	_ =	sdelay $0x3  }
0x96: {  	_ =	strace s3  }
0x97: {  	_ =	strace $0x8FFFFFFF  }
0x98: {  	s19 =	sld [smem:$0x3FDB];
	_ =	sdelay $0x1  }
0x99: {  	s4 =	simm.s32 $_scs_section_size  }
0x9a: {  	s5 =	simm.s32 $_size__tile_overlayer_lowered;
	s6 =	simm.s32 $_tile_overlayer_lowered  }
0x9b: {  	s22 =	simm.s32 $0x1BFF;
	s21 =	sshll.u32 s6, $0x1;
	s3 =	sadd.s32 s4, s19  }
0x9c: {  	s7 =	simm.s32 $0x0;
	s20 =	sshll.u32 s5, $0x1;
	s5 =	sadd.s32 s21, s3  }
0x9d: {  	[timem:s7], [sflag:s22] =	dma.local [hbm:s5], s20  }
0x9e: {  	_ =	swait.ge [sflag:s22], s20  }
0x9f: {  	s4 =	ssub.s32 $0x0, s20;
	[sflag:s22] =	ssyncset.done $0x0  }
0xa0: {  	[sflag:s22] =	ssyncadd.s32 s4;
	_ =	sdelay $0x1  }
0xa1: {  	s23 =	simm.s32 $0x1B8B  }
0xa2: {  	_ =	swait.ge [sflag:s23], $0x1  }
0xa3: {  	[sflag:s23] =	ssyncset.done $0x0  }
0xa4: {  	s25 =	simm.s32 $0x1B8E;
	s24 =	sld [smem:$0x3FFE];
	[sflag:s23] =	ssyncadd.s32 $0xFFFFFFFF  }
0xa5: {  	s26 =	simm.s32 $execute0_lowered;
	[smem:$0x3FD2] =	sst s25  }
0xa6: {  	s5 =	sshll.u32 s26, $0x1;
	_ =	strace $0x80000046;
	[dreg:$0x1] =	wrdreg $0xFFFFFFFF  }
0xa7: {  	s28 =	simm.s32 $_size_execute0_lowered;
	s3 =	sadd.s32 s3, s5;
	[dreg:$0x0] =	wrdreg $0x0  }
0xa8: {  	s5 =	sshll.u32 s28, $0x1;
	[dreg:$0x2] =	wrdreg s3  }
0xa9: {  	[dreg:$0x3] =	wrdreg s5  }
0xaa: {  	[dreg:$0x4] =	wrdreg $0xC0  }
0xab: {  	_ =	task [dreg:s7], $0x5FFFF  }
0xac: {  	[dreg:$0x1] =	wrdreg $0xFFFFFFFF  }
0xad: {  	[dreg:$0x0] =	wrdreg $0x60  }
0xae: {  	[dreg:$0x2] =	wrdreg s24  }
0xaf: {  	[dreg:$0x3] =	wrdreg s2  }
0xb0: {  	[dreg:$0x4] =	wrdreg $0x40800  }
0xb1: {  	[dreg:$0x5] =	wrdreg $0x9  }
0xb2: {  	_ =	task.clear_ibuf [dreg:s7], $0x6FFFF;
	_ =	strace $0x90000046  }
0xb3: {  	s29 =	simm.s32 $0x9;
	_ =	strace $0x80000048  }
0xb4: {  	_ =	swait.ge [sflag:s29], $0x1  }
0xb5: {  	[sflag:s29] =	ssyncadd.s32 $0xFFFFFFFF  }
0xb6: {  	_ =	strace $0x90000048  }
0xb7: {  	_ =	sfence  }
0xb8: {  	s30 =	sld [smem:$0x0];
	_ =	sdelay $0x2  }
0xb9: {  	s31 =	sshll.u32 s1, $0xD;
	s1 =	sshrl.u32 s1, $0x2  }
0xba: {  	s3 =	sand.u32 $0x4000, s31;
	s1 =	sadd.s32 s1, s30  }
0xbb: {  	s0 =	sor.u32 s3, s0;
	s1 =	sshll.u32 s1, $0x11  }
0xbc: {  	s0 =	sor.u32 s1, s0  }
0xbd: {  	s0 =	sadd.s32 $0x8F2B, s0  }
0xbe: {  	[sflag:s0] =	ssyncadd.remote.s32 $0x1  }
0xbf: {  	_ =	sfence.sel $0xFFFF  }
0xc0: {  	[dreg:$0x0] =	wrdreg $0xFFFFFFFF;
	(pc) =	sbr.abs _section_cstart, $3  }
0xc1: {  	[dreg:$0x1] =	wrdreg $0xFFFFFFFF  }
0xc2: {  	_ =	task.clear_ibuf [dreg:s7], $0x2FFFF;
	_ =	strace $0x9FFFFFFF  }
0xc3: {  	(tm) =	ssettm $0x7FFFFFFF  }
tec
execute0_lowered:
.L_overlay_start_1:
0x0: {  	(tag) =	ssettag $0x1  }
0x1: {  	s6 =	rddreg [dreg:$0x0]  }
0x2: {  	s1 =	rddreg [dreg:$0x1]  }
0x3: {  	s2 =	rddreg [dreg:$0x2]  }
0x4: {  	s0 =	rddreg [dreg:$0x3];
	s3 =	simm.s32 $0x0;
	s4 =	srdreg.scid  }
0x5: {  	[smem:$0x7FF] =	sst s3;
	s8 =	sand.u32 $0x1, s4  }
0x6: {  	s4 =	stileid.u32;
	s5 =	sadd.s32 $0xC00, s6;
	s7 =	smul.u32 $0x27800, s8  }
0x7: {  	_ =	strace $0x80000047;
	s9 =	smul.u32 $0x4F000, s4;
	s10 =	ssub.s32 $0x2, s8  }
0x8: {  	s11 =	sshll.u32 s4, $0x1;
	s15 =	smul.u32 $0x2780, s4;
	s25 =	sshll.u32 s4, $0x6  }
0x9: {  	s16 =	smul.u32 $0x1388, s4;
	s22 =	sshrl.u32 s10, $0x1;
	s11 =	sor.u32 s8, s11  }
0xa: {  	s8 =	smul.u32 $0x9C4, s8;
	s12 =	sadd.s32 s7, s6;
	s23 =	sshrl.u32 s9, $0x2  }
0xb: {  	s13 =	smul.u32 $0x9C4, s11;
	s10 =	ssub.s32 s10, s22;
	s7 =	sor.u32 $0x1C01, s25  }
0xc: {  	p0 =	seq.s32 s11, $0x1F;
	s24 =	sadd.s32 s15, s12;
	s14 =	sadd.s32 s23, s2  }
0xd: {  	s29 =	sadd.s32 s8, s16;
	s30 =	sadd.s32 $0x531C00, s12;
	s16 =	simm.s32 $0x0  }
0xe: {  	s6 =	sadd.s32 $0x4E2C00, s24;
	s26 =	sadd.s32 $0x9C4, s13;
	s13 =	sshrl.u32 s13, $0x5  }
.Ltmp0:
0xf: {  	s31 =	sshrl.u32 s29, $0x8;
	s9 =	sshrl.u32 s26, $0x5;
	(pc) =	sbr.rel .LBB2_1-.Ltmp0, $4  }
0x10: {  	s12 =	sshrl.u32 s14, $0x3;
	s14 =	simm.s32 $0x80;
	s9 =	sand.u32 $0x1FF8, s9  }
0x11: {  	s15 =	sadd.s32 s15, s30;
	s28 =	sand.u32 $0xFF8, s13;
	s9 =	simm.s32 @p0 $0x9C4  }
0x12: {  	s11 =	sshll.u32 s31, $0xA;
	s13 =	simm.s32 $0x1;
	s8 =	ssub.s32 s9, s28  }
0x13: {  	s9 =	smax.u32 s10, $0x1;
	s10 =	sshll.u32 s31, $0xE;
	p0 =	slt.s32 s8, $0x1  }
.LBB2_3:
0x14: {  	s17 =	smov.u32 s10  }
.LBB2_6:
0x15: {  	s18 =	sshrl.u32 s20, $0x3  }
0x16: {  	[sflag:s13] =	ssyncadd.s32 @p1 $0xFFFFF000;
	s18 =	sadd.s32 s1, s18  }
0x17: {  	[tilespmem:s3], [sflag:$0x1] =	stream.linear.gather [hbm4b:s18+s3], $0x80, $0x38;
	[tilespmem:$0x8F80] =	vst v63  }
0x18: {  	_ =	swait.ge [sflag:s13], $0x80  }
0x19: {  	s17 =	sand.u32 $0x1FFFF800, s17;
	[sflag:s13] =	ssyncset.done $0x0  }
0x1a: {  	s17 =	sadd.s32 s5, s17;
	[sflag:s13] =	ssyncadd.s32 $0xFFFFFF80  }
0x1b: {  	[tilespmem:s14], [sflag:$0x1] =	stream.linear.gather [hbm4b:s17+s3], $0x4000, $0x38;
	[tilespmem:$0x8F80] =	vst v63  }
0x1c: {  	_ =	swait.ge [sflag:s13], $0x4000  }
0x1d: {  	[sflag:s13] =	ssyncset.done $0x0  }
0x1e: {  	[sflag:s13] =	ssyncadd.s32 $0xFFFFC000  }
0x1f: {  	[spmem:s2] =	stream.indirect.scatter.add.f32 [tilespmem:s14], [sflag:$0x1], $0x20, s3, s14, $0xb8;
	[tilespmem:$0x8F80] =	vst v63  }
0x20: {  	_ =	swait.ge [sflag:s13], $0x1000  }
0x21: {  	[sflag:s13] =	ssyncset.done $0x0  }
0x22: {  	[sflag:s13] =	ssyncadd.s32 $0xFFFFF000  }
.LBB2_7:
0x23: {  	s16 =	sadd.s32 $0x1, s16  }
0x24: {  	p1 =	sne.s32 s16, s9  }
.Ltmp1:
0x25: {  	[bflag:$0x0] =	sbarrier.arrive $0xFFFF;
	(pc) =	sbr.rel @!p1 .LBB2_8-.Ltmp1, $4  }
0x26: {  	[hbm:s15], [sflag:s7] =	dma.local [spmem:s12], $0x2780  }
0x27: {  	_ =	swait.ge [sflag:s13], $0x2780  }
0x28: {  	[sflag:s13] =	ssyncset.done $0x0  }
0x29: {  	[sflag:s13] =	ssyncadd.s32 $0xFFFFD880  }
.LBB2_1:
0x2a: {  	[spmem:s12], [sflag:s7] =	dma.local [hbm:s6], $0x2780  }
.Ltmp2:
0x2b: {  	_ =	swait.ge [sflag:s13], $0x2780;
	(pc) =	sbr.rel @p0 .LBB2_7-.Ltmp2, $3  }
0x2c: {  	[sflag:s13] =	ssyncset.done $0x0  }
0x2d: {  	[sflag:s13] =	ssyncadd.s32 $0xFFFFD880  }
0x2e: {  	[bflag:$0x0] =	sbarrier.arrive $0xFFFF;
	_ =	sdelay $0x1  }
0x2f: {  	s17 =	sadd.s32 $0x1, s3  }
0x30: {  	p2 =	slt.s32 s17, s8  }
.Ltmp3:
0x31: {  	_ = 	snop;
	(pc) =	sbr.rel @!p2 .LBB2_3-.Ltmp3, $4  }
0x32: {  	_ = 	snop  }
0x33: {  	s18 =	sadd.s32 s3, s11  }
0x34: {  	s19 =	sand.u32 $0x380, s3;
	s18 =	sand.u32 $0xFFFFFC00, s18  }
0x35: {  	p1 =	por $0x0, $0x0;
	s20 =	sor.u32 s19, s18  }
0x36: {  	s18 =	sshrl.u32 s20, $0x3  }
0x37: {  	s18 =	sadd.s32 s1, s18  }
0x38: {  	[tilespmem:s3], [sflag:$0x1] =	stream.linear.gather [hbm4b:s18+s3], $0x80, $0x38;
	[tilespmem:$0x8F80] =	vst v63  }
0x39: {  	_ =	swait.ge [sflag:s13], $0x80  }
0x3a: {  	s28 =	sand.u32 $0x1FFFF800, s10;
	[sflag:s13] =	ssyncset.done $0x0  }
0x3b: {  	s19 =	sadd.s32 $0x1, s17;
	s18 =	sadd.s32 s5, s28;
	[sflag:s13] =	ssyncadd.s32 $0xFFFFFF80  }
0x3c: {  	[tilespmem:s14], [sflag:$0x1] =	stream.linear.gather [hbm4b:s18+s3], $0x4000, $0x38;
	[tilespmem:$0x8F80] =	vst v63  }
0x3d: {  	p2 =	slt.s32 s19, s8;
	_ =	swait.ge [sflag:s13], $0x4000  }
.Ltmp4:
0x3e: {  	s18 =	sadd.s32 $0x80, s3;
	[sflag:s13] =	ssyncset.done $0x0;
	(pc) =	sbr.rel @!p2 .LBB2_6-.Ltmp4, $4  }
0x3f: {  	s17 =	sadd.s32 $0x800, s10;
	s29 =	sadd.s32 s18, s11;
	[sflag:s13] =	ssyncadd.s32 $0xFFFFC000  }
0x40: {  	[spmem:s2] =	stream.indirect.scatter.add.f32 [tilespmem:s14], [sflag:$0x1], $0x20, s3, s14, $0xb8;
	[tilespmem:$0x8F80] =	vst v63  }
0x41: {  	s31 =	sand.u32 $0x380, s18;
	s30 =	sand.u32 $0xFFFFFC00, s29;
	_ =	swait.ge [sflag:s13], $0x1000  }
0x42: {  	p1 =	por $0x1, $0x1;
	s20 =	sor.u32 s31, s30;
	[sflag:s13] =	ssyncset.done $0x0  }
.LBB2_5:
0x43: {  	s19 =	sadd.s32 $0x1, s19;
	s20 =	sshrl.u32 s20, $0x3;
	[sflag:s13] =	ssyncadd.s32 $0xFFFFF000  }
0x44: {  	p2 =	slt.s32 s19, s8;
	s20 =	sadd.s32 s1, s20  }
0x45: {  	[tilespmem:s3], [sflag:$0x1] =	stream.linear.gather [hbm4b:s20+s3], $0x80, $0x38;
	[tilespmem:$0x8F80] =	vst v63  }
0x46: {  	_ =	swait.ge [sflag:s13], $0x80  }
0x47: {  	s20 =	sand.u32 $0x1FFFF800, s17;
	[sflag:s13] =	ssyncset.done $0x0  }
0x48: {  	s20 =	sadd.s32 s5, s20;
	[sflag:s13] =	ssyncadd.s32 $0xFFFFFF80  }
0x49: {  	[tilespmem:s14], [sflag:$0x1] =	stream.linear.gather [hbm4b:s20+s3], $0x4000, $0x38;
	[tilespmem:$0x8F80] =	vst v63  }
0x4a: {  	_ =	swait.ge [sflag:s13], $0x4000  }
.Ltmp5:
0x4b: {  	s18 =	sadd.s32 $0x80, s18;
	[sflag:s13] =	ssyncset.done $0x0;
	(pc) =	sbr.rel @p2 .LBB2_5-.Ltmp5, $4  }
0x4c: {  	s20 =	sadd.s32 s18, s11;
	[sflag:s13] =	ssyncadd.s32 $0xFFFFC000  }
0x4d: {  	[spmem:s2] =	stream.indirect.scatter.add.f32 [tilespmem:s14], [sflag:$0x1], $0x20, s3, s14, $0xb8;
	[tilespmem:$0x8F80] =	vst v63  }
0x4e: {  	s21 =	sand.u32 $0x380, s18;
	s20 =	sand.u32 $0xFFFFFC00, s20;
	_ =	swait.ge [sflag:s13], $0x1000  }
0x4f: {  	s17 =	sadd.s32 $0x800, s17;
	s20 =	sor.u32 s21, s20;
	[sflag:s13] =	ssyncset.done $0x0  }
.Ltmp6:
0x50: {  	_ = 	snop;
	(pc) =	sbr.rel .LBB2_6-.Ltmp6, $1  }
0x51: {  	_ =	sdelay $0x3  }
.LBB2_8:
0x52: {  	_ =	sfence.sel $0x180000  }
0x53: {  	[bflag:$0x0] =	sbarrier.arrive $0xFFFF  }
0x54: {  	p0 =	sne.s32 s4, $0x0;
	_ =	strace $0x90000047  }
0x55: {  	s0 =	sadd.s32 @!p0 $0x100000, s0;
	[bflag:$0x2] =	sbarrier.arrive $0xFFFF  }
0x56: {  	[sflag:s0] =	ssyncadd.tile.s32 @!p0 $0x1;
	_ =	shalt  }
.Lfunc_end2:
_tile_overlayer_lowered:
.L_overlay_start_2:
0x57: {  	(tag) =	ssettag $0x2  }
0x58: {  	s0 =	rddreg [dreg:$0x0];
	s2 =	stileid.u32  }
0x59: {  	s1 =	rddreg [dreg:$0x1];
	p0 =	sne.s32 s2, $0x0  }
0x5a: {  	s3 =	rddreg [dreg:$0x2];
	[bflag:$0x3] =	sbarrier.arrive $0xFFFF;
	s2 =	simm.s32 @!p0 $0x1C01  }
0x5b: {  	[timem:s3], [sflag:s2] =	dma.local @!p0 [hbm:s0], s1  }
0x5c: {  	s0 =	simm.s32 @!p0 $0x1  }
0x5d: {  	_ =	swait.ge @!p0 [sflag:s0], s1  }
0x5e: {  	s1 =	ssub.s32 @!p0 $0x0, s1;
	[sflag:s0] =	ssyncset.done @!p0 $0x0  }
0x5f: {  	[sflag:s0] =	ssyncadd.s32 @!p0 s1  }
0x60: {  	[bflag:$0x3] =	sbarrier.arrive $0xFFFF  }
0x61: {  	_ =	shalt  }

</sc_bundles>
